<compile_context>
chip_gen: v7x
topology: tpu7x:2x2x1
jax: 0.10.2.dev20260603
libtpu: 0.0.44.dev20260713+nightly
codegen_flags: <defaults>
</compile_context>

<pallas_src>
import functools

import jax
import jax.numpy as jnp
from jax import lax
from jax.experimental import pallas as pl
from jax.experimental.pallas import tpu as pltpu
from jax.experimental.pallas import tpu_sc as plsc

_NC = 2
_NS = 16
_NW = _NC * _NS
_LANES = 16


def _gather_body(n_per_w, embed_dim, table_hbm, idx_hbm, out_hbm,
                 idx_v, out_v, sem):
    wid = lax.axis_index("s") * _NC + lax.axis_index("c")
    base = wid * n_per_w

    pltpu.sync_copy(idx_hbm.at[pl.ds(base, n_per_w)], idx_v)

    lane_iota = lax.iota(jnp.int32, _LANES)
    period = embed_dim // _LANES

    def to_flat(g, carry):
        for c in range(period):
            i = g * period + c
            col0 = (c * _LANES) % embed_dim
            v = idx_v[pl.ds(i * _LANES, _LANES)]
            idx_v[pl.ds(i * _LANES, _LANES)] = (
                v * embed_dim + (lane_iota + col0))
        return carry

    lax.fori_loop(0, n_per_w // (_LANES * period), to_flat, 0, unroll=2)

    pltpu.async_copy(table_hbm.at[idx_v], out_v, sem).wait()

    pltpu.sync_copy(out_v, out_hbm.at[pl.ds(base, n_per_w)])


def kernel(input, index):
    vocab, embed_dim = input.shape
    batch = index.shape[0]
    n = batch * embed_dim
    n_per_w = n // _NW

    table_flat = input.reshape(vocab * embed_dim)
    idx_flat = index.astype(jnp.int32).reshape(n)

    mesh = plsc.VectorSubcoreMesh(core_axis_name="c", subcore_axis_name="s",
                                  num_cores=_NC, num_subcores=_NS)
    body = functools.partial(_gather_body, n_per_w, embed_dim)
    out = pl.kernel(
        body,
        out_type=jax.ShapeDtypeStruct((n,), jnp.float32),
        mesh=mesh,
        scratch_types=[
            pltpu.VMEM((n_per_w,), jnp.int32),
            pltpu.VMEM((n_per_w,), jnp.float32),
            pltpu.SemaphoreType.DMA,
        ],
    )(table_flat, idx_flat)
    return out.reshape(batch, embed_dim)

# --- scband reference (transcript-rebuilt; emitter-appended) ---
"""Pipeline reference for scband-gather-63488206569631 (READ-ONLY COPY).

The authoritative reference and input builder live on the scoring server;
editing this copy changes nothing except your own understanding.
"""

import jax, jax.numpy as jnp
import numpy as np

VOCAB = 1000000
EMBED_DIM = 64
BATCH = 16384

def setup_inputs(seed: int = 0) -> dict:
    key = jax.random.key(seed)
    k1, k2 = jax.random.split(key)
    input = jax.random.normal(k1, (VOCAB, EMBED_DIM), dtype=jnp.float32)
    index = jax.random.randint(k2, (BATCH, EMBED_DIM), 0, VOCAB, dtype=jnp.int64 if jax.config.read('jax_enable_x64') else jnp.int32)
    return {"input": input, "index": index}

def reference(input, index):
    # torch.gather(input, dim=0, index): out[i, j] = input[index[i, j], j]
    return jnp.take_along_axis(input, index, axis=0)

if __name__ == "__main__":
    import jax
    _d = setup_inputs()
    print(jax.jit(kernel)(*tuple(_d.values())))

</pallas_src>

<mosaic_0001>
#map = affine_map<(d0, d1) -> (0)>
module attributes {stable_mosaic.version = 14 : i64} {
  func.func @_gather_body(%arg0: i32, %arg1: i32, %arg2: memref<64000000xf32, #tpu.memory_space<hbm>>, %arg3: memref<1048576xi32, #tpu.memory_space<hbm>>, %arg4: memref<1048576xf32, #tpu.memory_space<hbm>>, %arg5: memref<32768xi32, #tpu.memory_space<vmem>>, %arg6: memref<32768xf32, #tpu.memory_space<vmem>>, %arg7: memref<!tpu.dma_semaphore, #tpu.memory_space<semaphore_mem>>) attributes {dimension_semantics = [#tpu.dimension_semantics<core_parallel>, #tpu.dimension_semantics<subcore_parallel>], iteration_bounds = array<i64: 2, 16>, scalar_prefetch = 0 : i64, scratch_operands = 3 : i64, tpu.core_type = #tpu.core_type<sc_vector_subcore>, window_params = [{transform_indices = #map}, {transform_indices = #map}, {transform_indices = #map}]} {
    %mul3A = arith.constant 2 : i32
    %mul3A_0 = arith.muli %arg1, %mul3A : i32
    %add3A = arith.addi %mul3A_0, %arg0 : i32
    %mul3A_1 = arith.constant 32768 : i32
    %mul3A_2 = arith.muli %add3A, %mul3A_1 : i32
    "tpu.region"() ({
      %run_scoped3A = tpu.sem_alloc : memref<!tpu.dma_semaphore, #tpu.memory_space<semaphore_mem>>
      %dma_start3A_10 = tpu.memref_slice %arg3[%mul3A_2] : memref<1048576xi32, #tpu.memory_space<hbm>> -> memref<32768xi32, #tpu.memory_space<hbm>>
      %dma_start3A_11 = tpu.memref_slice %arg3[%mul3A_2] : memref<1048576xi32, #tpu.memory_space<hbm>> -> memref<32768xi32, #tpu.memory_space<hbm>>
      tpu.enqueue_dma source(%dma_start3A_11 : memref<32768xi32, #tpu.memory_space<hbm>>) target(%arg5 : memref<32768xi32, #tpu.memory_space<vmem>>) target_semaphore(%run_scoped3A : memref<!tpu.dma_semaphore, #tpu.memory_space<semaphore_mem>>)
      %dma_wait3A_12 = tpu.memref_slice %arg3[%mul3A_2] : memref<1048576xi32, #tpu.memory_space<hbm>> -> memref<32768xi32, #tpu.memory_space<hbm>>
      %dma_wait3A_13 = tpu.memref_slice %arg3[%mul3A_2] : memref<1048576xi32, #tpu.memory_space<hbm>> -> memref<32768xi32, #tpu.memory_space<hbm>>
      tpu.wait_dma2 semaphore(%run_scoped3A : memref<!tpu.dma_semaphore, #tpu.memory_space<semaphore_mem>>) src(%dma_wait3A_13 : memref<32768xi32, #tpu.memory_space<hbm>>) dst(%arg5 : memref<32768xi32, #tpu.memory_space<vmem>>)
      tpu.yield
    }) : () -> ()
    %iota3A = tpu.iota {dimensions = array<i32: 0>} : vector<16xi32>
    %scan3A = arith.constant 0 : i32
    %scan3A_3 = arith.constant 0 : i32
    %scan3A_4 = arith.constant 512 : i32
    %scan3A_5 = arith.addi %scan3A_3, %scan3A_4 : i32
    %scan3A_6 = arith.constant 2 : i32
    scf.for %scan3A_10 = %scan3A_3 to %scan3A_5 step %scan3A_6  : i32 {
      %mul3A_11 = arith.constant 4 : i32
      %mul3A_12 = arith.muli %scan3A_10, %mul3A_11 : i32
      %add3A_13 = arith.constant 0 : i32
      %add3A_14 = arith.addi %mul3A_12, %add3A_13 : i32
      %mul3A_15 = arith.constant 16 : i32
      %mul3A_16 = arith.muli %add3A_14, %mul3A_15 : i32
      %get3A = arith.index_cast %mul3A_16 : i32 to index
      %get3A_17 = tpu.vector_load %arg5[%get3A] {strides = array<i32>} : memref<32768xi32, #tpu.memory_space<vmem>>, vector<16xi32>,
      %get3A_18 = vector.shape_cast %get3A_17 : vector<16xi32> to vector<16xi32>
      %mul3A_19 = arith.constant 64 : i32
      %mul3A_20 = vector.broadcast %mul3A_19 : i32 to vector<16xi32>
      %mul3A_21 = arith.muli %get3A_18, %mul3A_20 : vector<16xi32>
      %add3A_22 = arith.constant 0 : i32
      %add3A_23 = vector.broadcast %add3A_22 : i32 to vector<16xi32>
      %add3A_24 = arith.addi %iota3A, %add3A_23 : vector<16xi32>
      %add3A_25 = arith.addi %mul3A_21, %add3A_24 : vector<16xi32>
      %mul3A_26 = arith.constant 16 : i32
      %mul3A_27 = arith.muli %add3A_14, %mul3A_26 : i32
      %swap3A = arith.index_cast %mul3A_27 : i32 to index
      %swap3A_28 = tpu.vector_load %arg5[%swap3A] {strides = array<i32>} : memref<32768xi32, #tpu.memory_space<vmem>>, vector<16xi32>,
      %swap3A_29 = vector.shape_cast %swap3A_28 : vector<16xi32> to vector<16xi32>
      %swap3A_30 = vector.shape_cast %add3A_25 : vector<16xi32> to vector<16xi32>
      tpu.vector_store %arg5[%swap3A], %swap3A_30 {strides = array<i32>} : memref<32768xi32, #tpu.memory_space<vmem>>, vector<16xi32>,
      %mul3A_31 = arith.constant 4 : i32
      %mul3A_32 = arith.muli %scan3A_10, %mul3A_31 : i32
      %add3A_33 = arith.constant 1 : i32
      %add3A_34 = arith.addi %mul3A_32, %add3A_33 : i32
      %mul3A_35 = arith.constant 16 : i32
      %mul3A_36 = arith.muli %add3A_34, %mul3A_35 : i32
      %get3A_37 = arith.index_cast %mul3A_36 : i32 to index
      %get3A_38 = tpu.vector_load %arg5[%get3A_37] {strides = array<i32>} : memref<32768xi32, #tpu.memory_space<vmem>>, vector<16xi32>,
      %get3A_39 = vector.shape_cast %get3A_38 : vector<16xi32> to vector<16xi32>
      %mul3A_40 = arith.constant 64 : i32
      %mul3A_41 = vector.broadcast %mul3A_40 : i32 to vector<16xi32>
      %mul3A_42 = arith.muli %get3A_39, %mul3A_41 : vector<16xi32>
      %add3A_43 = arith.constant 16 : i32
      %add3A_44 = vector.broadcast %add3A_43 : i32 to vector<16xi32>
      %add3A_45 = arith.addi %iota3A, %add3A_44 : vector<16xi32>
      %add3A_46 = arith.addi %mul3A_42, %add3A_45 : vector<16xi32>
      %mul3A_47 = arith.constant 16 : i32
      %mul3A_48 = arith.muli %add3A_34, %mul3A_47 : i32
      %swap3A_49 = arith.index_cast %mul3A_48 : i32 to index
      %swap3A_50 = tpu.vector_load %arg5[%swap3A_49] {strides = array<i32>} : memref<32768xi32, #tpu.memory_space<vmem>>, vector<16xi32>,
      %swap3A_51 = vector.shape_cast %swap3A_50 : vector<16xi32> to vector<16xi32>
      %swap3A_52 = vector.shape_cast %add3A_46 : vector<16xi32> to vector<16xi32>
      tpu.vector_store %arg5[%swap3A_49], %swap3A_52 {strides = array<i32>} : memref<32768xi32, #tpu.memory_space<vmem>>, vector<16xi32>,
      %mul3A_53 = arith.constant 4 : i32
      %mul3A_54 = arith.muli %scan3A_10, %mul3A_53 : i32
      %add3A_55 = arith.constant 2 : i32
      %add3A_56 = arith.addi %mul3A_54, %add3A_55 : i32
      %mul3A_57 = arith.constant 16 : i32
      %mul3A_58 = arith.muli %add3A_56, %mul3A_57 : i32
      %get3A_59 = arith.index_cast %mul3A_58 : i32 to index
      %get3A_60 = tpu.vector_load %arg5[%get3A_59] {strides = array<i32>} : memref<32768xi32, #tpu.memory_space<vmem>>, vector<16xi32>,
      %get3A_61 = vector.shape_cast %get3A_60 : vector<16xi32> to vector<16xi32>
      %mul3A_62 = arith.constant 64 : i32
      %mul3A_63 = vector.broadcast %mul3A_62 : i32 to vector<16xi32>
      %mul3A_64 = arith.muli %get3A_61, %mul3A_63 : vector<16xi32>
      %add3A_65 = arith.constant 32 : i32
      %add3A_66 = vector.broadcast %add3A_65 : i32 to vector<16xi32>
      %add3A_67 = arith.addi %iota3A, %add3A_66 : vector<16xi32>
      %add3A_68 = arith.addi %mul3A_64, %add3A_67 : vector<16xi32>
      %mul3A_69 = arith.constant 16 : i32
      %mul3A_70 = arith.muli %add3A_56, %mul3A_69 : i32
      %swap3A_71 = arith.index_cast %mul3A_70 : i32 to index
      %swap3A_72 = tpu.vector_load %arg5[%swap3A_71] {strides = array<i32>} : memref<32768xi32, #tpu.memory_space<vmem>>, vector<16xi32>,
      %swap3A_73 = vector.shape_cast %swap3A_72 : vector<16xi32> to vector<16xi32>
      %swap3A_74 = vector.shape_cast %add3A_68 : vector<16xi32> to vector<16xi32>
      tpu.vector_store %arg5[%swap3A_71], %swap3A_74 {strides = array<i32>} : memref<32768xi32, #tpu.memory_space<vmem>>, vector<16xi32>,
      %mul3A_75 = arith.constant 4 : i32
      %mul3A_76 = arith.muli %scan3A_10, %mul3A_75 : i32
      %add3A_77 = arith.constant 3 : i32
      %add3A_78 = arith.addi %mul3A_76, %add3A_77 : i32
      %mul3A_79 = arith.constant 16 : i32
      %mul3A_80 = arith.muli %add3A_78, %mul3A_79 : i32
      %get3A_81 = arith.index_cast %mul3A_80 : i32 to index
      %get3A_82 = tpu.vector_load %arg5[%get3A_81] {strides = array<i32>} : memref<32768xi32, #tpu.memory_space<vmem>>, vector<16xi32>,
      %get3A_83 = vector.shape_cast %get3A_82 : vector<16xi32> to vector<16xi32>
      %mul3A_84 = arith.constant 64 : i32
      %mul3A_85 = vector.broadcast %mul3A_84 : i32 to vector<16xi32>
      %mul3A_86 = arith.muli %get3A_83, %mul3A_85 : vector<16xi32>
      %add3A_87 = arith.constant 48 : i32
      %add3A_88 = vector.broadcast %add3A_87 : i32 to vector<16xi32>
      %add3A_89 = arith.addi %iota3A, %add3A_88 : vector<16xi32>
      %add3A_90 = arith.addi %mul3A_86, %add3A_89 : vector<16xi32>
      %mul3A_91 = arith.constant 16 : i32
      %mul3A_92 = arith.muli %add3A_78, %mul3A_91 : i32
      %swap3A_93 = arith.index_cast %mul3A_92 : i32 to index
      %swap3A_94 = tpu.vector_load %arg5[%swap3A_93] {strides = array<i32>} : memref<32768xi32, #tpu.memory_space<vmem>>, vector<16xi32>,
      %swap3A_95 = vector.shape_cast %swap3A_94 : vector<16xi32> to vector<16xi32>
      %swap3A_96 = vector.shape_cast %add3A_90 : vector<16xi32> to vector<16xi32>
      tpu.vector_store %arg5[%swap3A_93], %swap3A_96 {strides = array<i32>} : memref<32768xi32, #tpu.memory_space<vmem>>, vector<16xi32>,
      %scan3A_97 = arith.constant 1 : i32
      %scan3A_98 = arith.addi %scan3A_10, %scan3A_97 : i32
      %mul3A_99 = arith.constant 4 : i32
      %mul3A_100 = arith.muli %scan3A_98, %mul3A_99 : i32
      %add3A_101 = arith.constant 0 : i32
      %add3A_102 = arith.addi %mul3A_100, %add3A_101 : i32
      %mul3A_103 = arith.constant 16 : i32
      %mul3A_104 = arith.muli %add3A_102, %mul3A_103 : i32
      %get3A_105 = arith.index_cast %mul3A_104 : i32 to index
      %get3A_106 = tpu.vector_load %arg5[%get3A_105] {strides = array<i32>} : memref<32768xi32, #tpu.memory_space<vmem>>, vector<16xi32>,
      %get3A_107 = vector.shape_cast %get3A_106 : vector<16xi32> to vector<16xi32>
      %mul3A_108 = arith.constant 64 : i32
      %mul3A_109 = vector.broadcast %mul3A_108 : i32 to vector<16xi32>
      %mul3A_110 = arith.muli %get3A_107, %mul3A_109 : vector<16xi32>
      %add3A_111 = arith.constant 0 : i32
      %add3A_112 = vector.broadcast %add3A_111 : i32 to vector<16xi32>
      %add3A_113 = arith.addi %iota3A, %add3A_112 : vector<16xi32>
      %add3A_114 = arith.addi %mul3A_110, %add3A_113 : vector<16xi32>
      %mul3A_115 = arith.constant 16 : i32
      %mul3A_116 = arith.muli %add3A_102, %mul3A_115 : i32
      %swap3A_117 = arith.index_cast %mul3A_116 : i32 to index
      %swap3A_118 = tpu.vector_load %arg5[%swap3A_117] {strides = array<i32>} : memref<32768xi32, #tpu.memory_space<vmem>>, vector<16xi32>,
      %swap3A_119 = vector.shape_cast %swap3A_118 : vector<16xi32> to vector<16xi32>
      %swap3A_120 = vector.shape_cast %add3A_114 : vector<16xi32> to vector<16xi32>
      tpu.vector_store %arg5[%swap3A_117], %swap3A_120 {strides = array<i32>} : memref<32768xi32, #tpu.memory_space<vmem>>, vector<16xi32>,
      %mul3A_121 = arith.constant 4 : i32
      %mul3A_122 = arith.muli %scan3A_98, %mul3A_121 : i32
      %add3A_123 = arith.constant 1 : i32
      %add3A_124 = arith.addi %mul3A_122, %add3A_123 : i32
      %mul3A_125 = arith.constant 16 : i32
      %mul3A_126 = arith.muli %add3A_124, %mul3A_125 : i32
      %get3A_127 = arith.index_cast %mul3A_126 : i32 to index
      %get3A_128 = tpu.vector_load %arg5[%get3A_127] {strides = array<i32>} : memref<32768xi32, #tpu.memory_space<vmem>>, vector<16xi32>,
      %get3A_129 = vector.shape_cast %get3A_128 : vector<16xi32> to vector<16xi32>
      %mul3A_130 = arith.constant 64 : i32
      %mul3A_131 = vector.broadcast %mul3A_130 : i32 to vector<16xi32>
      %mul3A_132 = arith.muli %get3A_129, %mul3A_131 : vector<16xi32>
      %add3A_133 = arith.constant 16 : i32
      %add3A_134 = vector.broadcast %add3A_133 : i32 to vector<16xi32>
      %add3A_135 = arith.addi %iota3A, %add3A_134 : vector<16xi32>
      %add3A_136 = arith.addi %mul3A_132, %add3A_135 : vector<16xi32>
      %mul3A_137 = arith.constant 16 : i32
      %mul3A_138 = arith.muli %add3A_124, %mul3A_137 : i32
      %swap3A_139 = arith.index_cast %mul3A_138 : i32 to index
      %swap3A_140 = tpu.vector_load %arg5[%swap3A_139] {strides = array<i32>} : memref<32768xi32, #tpu.memory_space<vmem>>, vector<16xi32>,
      %swap3A_141 = vector.shape_cast %swap3A_140 : vector<16xi32> to vector<16xi32>
      %swap3A_142 = vector.shape_cast %add3A_136 : vector<16xi32> to vector<16xi32>
      tpu.vector_store %arg5[%swap3A_139], %swap3A_142 {strides = array<i32>} : memref<32768xi32, #tpu.memory_space<vmem>>, vector<16xi32>,
      %mul3A_143 = arith.constant 4 : i32
      %mul3A_144 = arith.muli %scan3A_98, %mul3A_143 : i32
      %add3A_145 = arith.constant 2 : i32
      %add3A_146 = arith.addi %mul3A_144, %add3A_145 : i32
      %mul3A_147 = arith.constant 16 : i32
      %mul3A_148 = arith.muli %add3A_146, %mul3A_147 : i32
      %get3A_149 = arith.index_cast %mul3A_148 : i32 to index
      %get3A_150 = tpu.vector_load %arg5[%get3A_149] {strides = array<i32>} : memref<32768xi32, #tpu.memory_space<vmem>>, vector<16xi32>,
      %get3A_151 = vector.shape_cast %get3A_150 : vector<16xi32> to vector<16xi32>
      %mul3A_152 = arith.constant 64 : i32
      %mul3A_153 = vector.broadcast %mul3A_152 : i32 to vector<16xi32>
      %mul3A_154 = arith.muli %get3A_151, %mul3A_153 : vector<16xi32>
      %add3A_155 = arith.constant 32 : i32
      %add3A_156 = vector.broadcast %add3A_155 : i32 to vector<16xi32>
      %add3A_157 = arith.addi %iota3A, %add3A_156 : vector<16xi32>
      %add3A_158 = arith.addi %mul3A_154, %add3A_157 : vector<16xi32>
      %mul3A_159 = arith.constant 16 : i32
      %mul3A_160 = arith.muli %add3A_146, %mul3A_159 : i32
      %swap3A_161 = arith.index_cast %mul3A_160 : i32 to index
      %swap3A_162 = tpu.vector_load %arg5[%swap3A_161] {strides = array<i32>} : memref<32768xi32, #tpu.memory_space<vmem>>, vector<16xi32>,
      %swap3A_163 = vector.shape_cast %swap3A_162 : vector<16xi32> to vector<16xi32>
      %swap3A_164 = vector.shape_cast %add3A_158 : vector<16xi32> to vector<16xi32>
      tpu.vector_store %arg5[%swap3A_161], %swap3A_164 {strides = array<i32>} : memref<32768xi32, #tpu.memory_space<vmem>>, vector<16xi32>,
      %mul3A_165 = arith.constant 4 : i32
      %mul3A_166 = arith.muli %scan3A_98, %mul3A_165 : i32
      %add3A_167 = arith.constant 3 : i32
      %add3A_168 = arith.addi %mul3A_166, %add3A_167 : i32
      %mul3A_169 = arith.constant 16 : i32
      %mul3A_170 = arith.muli %add3A_168, %mul3A_169 : i32
      %get3A_171 = arith.index_cast %mul3A_170 : i32 to index
      %get3A_172 = tpu.vector_load %arg5[%get3A_171] {strides = array<i32>} : memref<32768xi32, #tpu.memory_space<vmem>>, vector<16xi32>,
      %get3A_173 = vector.shape_cast %get3A_172 : vector<16xi32> to vector<16xi32>
      %mul3A_174 = arith.constant 64 : i32
      %mul3A_175 = vector.broadcast %mul3A_174 : i32 to vector<16xi32>
      %mul3A_176 = arith.muli %get3A_173, %mul3A_175 : vector<16xi32>
      %add3A_177 = arith.constant 48 : i32
      %add3A_178 = vector.broadcast %add3A_177 : i32 to vector<16xi32>
      %add3A_179 = arith.addi %iota3A, %add3A_178 : vector<16xi32>
      %add3A_180 = arith.addi %mul3A_176, %add3A_179 : vector<16xi32>
      %mul3A_181 = arith.constant 16 : i32
      %mul3A_182 = arith.muli %add3A_168, %mul3A_181 : i32
      %swap3A_183 = arith.index_cast %mul3A_182 : i32 to index
      %swap3A_184 = tpu.vector_load %arg5[%swap3A_183] {strides = array<i32>} : memref<32768xi32, #tpu.memory_space<vmem>>, vector<16xi32>,
      %swap3A_185 = vector.shape_cast %swap3A_184 : vector<16xi32> to vector<16xi32>
      %swap3A_186 = vector.shape_cast %add3A_180 : vector<16xi32> to vector<16xi32>
      tpu.vector_store %arg5[%swap3A_183], %swap3A_186 {strides = array<i32>} : memref<32768xi32, #tpu.memory_space<vmem>>, vector<16xi32>,
    }
    %scan3A_7 = arith.constant 512 : i32
    %dma_start3A = arith.constant 0 : i32
    %dma_start3A_8 = tpu.memref_slice %arg2[%dma_start3A] : memref<64000000xf32, #tpu.memory_space<hbm>> -> memref<64000000xf32, #tpu.memory_space<hbm>>
    tpu.enqueue_indirect_dma source(%dma_start3A_8 : memref<64000000xf32, #tpu.memory_space<hbm>>) target(%arg6 : memref<32768xf32, #tpu.memory_space<vmem>>) offsets(%arg5 : memref<32768xi32, #tpu.memory_space<vmem>>) semaphore(%arg7 : memref<!tpu.dma_semaphore, #tpu.memory_space<semaphore_mem>>)
    %dma_wait3A = arith.constant 0 : i32
    %dma_wait3A_9 = tpu.memref_slice %arg2[%dma_wait3A] : memref<64000000xf32, #tpu.memory_space<hbm>> -> memref<64000000xf32, #tpu.memory_space<hbm>>
    tpu.wait_indirect_dma semaphore(%arg7 : memref<!tpu.dma_semaphore, #tpu.memory_space<semaphore_mem>>) src(%dma_wait3A_9 : memref<64000000xf32, #tpu.memory_space<hbm>>) dst(%arg6 : memref<32768xf32, #tpu.memory_space<vmem>>)
    "tpu.region"() ({
      %run_scoped3A = tpu.sem_alloc : memref<!tpu.dma_semaphore, #tpu.memory_space<semaphore_mem>>
      %dma_start3A_10 = tpu.memref_slice %arg4[%mul3A_2] : memref<1048576xf32, #tpu.memory_space<hbm>> -> memref<32768xf32, #tpu.memory_space<hbm>>
      %dma_start3A_11 = tpu.memref_slice %arg4[%mul3A_2] : memref<1048576xf32, #tpu.memory_space<hbm>> -> memref<32768xf32, #tpu.memory_space<hbm>>
      tpu.enqueue_dma source(%arg6 : memref<32768xf32, #tpu.memory_space<vmem>>) target(%dma_start3A_11 : memref<32768xf32, #tpu.memory_space<hbm>>) target_semaphore(%run_scoped3A : memref<!tpu.dma_semaphore, #tpu.memory_space<semaphore_mem>>)
      %dma_wait3A_12 = tpu.memref_slice %arg4[%mul3A_2] : memref<1048576xf32, #tpu.memory_space<hbm>> -> memref<32768xf32, #tpu.memory_space<hbm>>
      %dma_wait3A_13 = tpu.memref_slice %arg4[%mul3A_2] : memref<1048576xf32, #tpu.memory_space<hbm>> -> memref<32768xf32, #tpu.memory_space<hbm>>
      tpu.wait_dma2 semaphore(%run_scoped3A : memref<!tpu.dma_semaphore, #tpu.memory_space<semaphore_mem>>) src(%arg6 : memref<32768xf32, #tpu.memory_space<vmem>>) dst(%dma_wait3A_13 : memref<32768xf32, #tpu.memory_space<hbm>>)
      tpu.yield
    }) : () -> ()
    return
  }
}

</mosaic_0001>

<sc_bundles>
// kernel: kernel.3.cloned.1.call-start
scs
__scs_entry_jumppad:
0x0: {  	(pc) =	sbr.rel $0x88, $3  }
0x1: {  	(tag) =	ssettag $0x0;
	lr =	simm.s32 $0x1  }
0x2: {  	[smem:$0x3F9F] =	sst lr;
	_ =	strace $0xD0000000  }
0x3: {  	_ = 	snop  }
0x4: {  	_ = 	snop  }
0x5: {  	_ = 	snop  }
0x6: {  	_ = 	snop  }
0x7: {  	_ = 	snop  }
__scs_overlays_trampoline_lowered:
0x8: {  	[smem:$0x3FAE] =	sst s0  }
0x9: {  	[smem:$0x3FAF] =	sst s1  }
0xa: {  	[smem:$0x3FB0] =	sst s2  }
0xb: {  	[smem:$0x3FB1] =	sst s3  }
0xc: {  	[smem:$0x3FB2] =	sst s4  }
0xd: {  	[smem:$0x3FB3] =	sst s5  }
0xe: {  	[smem:$0x3FB4] =	sst s6  }
0xf: {  	[smem:$0x3FB5] =	sst s7  }
0x10: {  	[smem:$0x3FB6] =	sst s8  }
0x11: {  	[smem:$0x3FB7] =	sst s9;
	s0 =	simm.s32 @!p0 $0x0  }
0x12: {  	s1 =	sld [smem:$0x3F9D];
	s0 =	simm.s32 @p0 $0x1  }
0x13: {  	[smem:$0x3FB8] =	sst s0;
	s0 =	simm.s32 @!p1 $0x0  }
0x14: {  	s2 =	sld [smem:$0x3F9C];
	s0 =	simm.s32 @p1 $0x1  }
0x15: {  	[smem:$0x3FB9] =	sst s0;
	s0 =	simm.s32 @!p2 $0x0  }
0x16: {  	s3 =	sld [smem:$0x3FDB];
	s0 =	simm.s32 @p2 $0x1  }
0x17: {  	s4 =	simm.s32 $0x1BF5;
	[smem:$0x3FBB] =	sst s0  }
0x18: {  	s0 =	sld [smem:$0x3F9E];
	_ =	swait.ge [sflag:s4], $0x0  }
0x19: {  	s7 =	sld [smem:$0x3F9F]  }
0x1a: {  	s8 =	sadd.s32 $0xFFFFE003, lr  }
0x1b: {  	s9 =	sadd.s32 $0xFFFFFEF7, lr;
	s5 =	simm.s32 $0xFFFFFFFF;
	p2 =	slt.u32 s8, $0xFFFFF086  }
0x1c: {  	p1 =	slt.u32 s9, $0xF7A;
	s5 =	simm.s32 @!p2 $0x0  }
0x1d: {  	s5 =	simm.s32 @p1 $0x1;
	p0 =	seq.s32 s7, s2  }
0x1e: {  	s7 =	smul.u32 @!p0 $0xF7A, s2;
	p2 =	seq.s32 @!p0 s5, $0x0  }
0x1f: {  	s9 =	smul.u32 $0xF7A, s1;
	s8 =	simm.s32 @!p0 $0x1BF5;
	p2 =	por !p2, p0  }
0x20: {  	[sflag:s8] =	ssyncset.s32 @!p0 $0xFFFFF086;
	s6 =	sadd.s32 @!p0 s3, s7;
	s7 =	simm.s32 @!p0 $0x108  }
0x21: {  	s3 =	sadd.s32 s3, s9;
	s6 =	sadd.s32 @!p0 $0x88, s6;
	s7 =	simm.s32 @p2 $0x1082  }
0x22: {  	[simem:s7], [sflag:s8] =	dma.local @!p0 [hbm:s6], $0xF7A  }
0x23: {  	s9 =	sor.u32 $0xD0000000, s2;
	s6 =	simm.s32 $0x108;
	_ =	swait.ge @!p0 [sflag:s8], $0x0  }
0x24: {  	s3 =	sadd.s32 $0x88, s3;
	s6 =	simm.s32 @!p1 $0x1082;
	[sflag:s4] =	ssyncset.s32 $0xFFFFF086  }
0x25: {  	[simem:s6], [sflag:s4] =	dma.local [hbm:s3], $0xF7A  }
0x26: {  	[smem:$0x3F9F] =	sst s1;
	(tag) =	ssettag s2;
	_ =	strace s9  }
0x27: {  	s1 =	sld [smem:$0x3FAF]  }
0x28: {  	s2 =	sld [smem:$0x3FB0]  }
0x29: {  	s4 =	sld [smem:$0x3FB2]  }
0x2a: {  	p0 =	seq.s32 s5, $0x0;
	s5 =	sld [smem:$0x3FB3]  }
0x2b: {  	s6 =	sld [smem:$0x3FB4]  }
0x2c: {  	s7 =	sld [smem:$0x3FB5]  }
0x2d: {  	s3 =	simm.s32 $0x108;
	s8 =	sld [smem:$0x3FB6]  }
0x2e: {  	s3 =	simm.s32 @!p0 $0x1082;
	s9 =	sld [smem:$0x3FB7]  }
0x2f: {  	lr =	sadd.s32 s0, s3;
	s0 =	sld [smem:$0x3FAE]  }
0x30: {  	s3 =	sld [smem:$0x3FB1]  }
0x31: {  	[smem:$0x3FBA] =	sst s10  }
0x32: {  	s10 =	sld [smem:$0x3FB8];
	_ =	sdelay $0x3  }
0x33: {  	p0 =	seq.s32 s10, $0x1;
	s10 =	sld [smem:$0x3FBA];
	_ =	sdelay $0x3  }
0x34: {  	[smem:$0x3FBA] =	sst s10  }
0x35: {  	s10 =	sld [smem:$0x3FB9];
	_ =	sdelay $0x3  }
0x36: {  	p1 =	seq.s32 s10, $0x1;
	s10 =	sld [smem:$0x3FBA];
	_ =	sdelay $0x3  }
0x37: {  	[smem:$0x3FBA] =	sst s10  }
0x38: {  	s10 =	sld [smem:$0x3FBB]  }
0x39: {  	_ = 	snop;
	(pc) =	sbr.ind lr, $3  }
0x3a: {  	_ = 	snop  }
0x3b: {  	_ = 	snop  }
0x3c: {  	p2 =	seq.s32 s10, $0x1;
	s10 =	sld [smem:$0x3FBA]  }
0x3d: {  	_ =	shalt  }
0x3e: {  	_ =	shalt  }
0x3f: {  	_ =	shalt  }
0x40: {  	_ =	shalt  }
0x41: {  	_ =	shalt  }
0x42: {  	_ =	shalt  }
0x43: {  	_ =	shalt  }
0x44: {  	_ =	shalt  }
0x45: {  	_ =	shalt  }
0x46: {  	_ =	shalt  }
0x47: {  	_ =	shalt  }
0x48: {  	_ =	shalt  }
0x49: {  	_ =	shalt  }
0x4a: {  	_ =	shalt  }
0x4b: {  	_ =	shalt  }
0x4c: {  	_ =	shalt  }
0x4d: {  	_ =	shalt  }
0x4e: {  	_ =	shalt  }
0x4f: {  	_ =	shalt  }
0x50: {  	_ =	shalt  }
0x51: {  	_ =	shalt  }
0x52: {  	_ =	shalt  }
0x53: {  	_ =	shalt  }
0x54: {  	_ =	shalt  }
0x55: {  	_ =	shalt  }
0x56: {  	_ =	shalt  }
0x57: {  	_ =	shalt  }
0x58: {  	_ =	shalt  }
0x59: {  	_ =	shalt  }
0x5a: {  	_ =	shalt  }
0x5b: {  	_ =	shalt  }
0x5c: {  	_ =	shalt  }
0x5d: {  	_ =	shalt  }
0x5e: {  	_ =	shalt  }
0x5f: {  	_ =	shalt  }
0x60: {  	_ =	shalt  }
0x61: {  	_ =	shalt  }
0x62: {  	_ =	shalt  }
0x63: {  	_ =	shalt  }
0x64: {  	_ =	shalt  }
0x65: {  	_ =	shalt  }
0x66: {  	_ =	shalt  }
0x67: {  	_ =	shalt  }
0x68: {  	_ =	shalt  }
0x69: {  	_ =	shalt  }
0x6a: {  	_ =	shalt  }
0x6b: {  	_ =	shalt  }
0x6c: {  	_ =	shalt  }
0x6d: {  	_ =	shalt  }
0x6e: {  	_ =	shalt  }
0x6f: {  	_ =	shalt  }
0x70: {  	_ =	shalt  }
0x71: {  	_ =	shalt  }
0x72: {  	_ =	shalt  }
0x73: {  	_ =	shalt  }
0x74: {  	_ =	shalt  }
0x75: {  	_ =	shalt  }
0x76: {  	_ =	shalt  }
0x77: {  	_ =	shalt  }
0x78: {  	_ =	shalt  }
0x79: {  	_ =	shalt  }
0x7a: {  	_ =	shalt  }
0x7b: {  	_ =	shalt  }
0x7c: {  	_ =	shalt  }
0x7d: {  	_ =	shalt  }
0x7e: {  	_ =	shalt  }
0x7f: {  	_ =	shalt  }
0x80: {  	_ =	shalt  }
0x81: {  	_ =	shalt  }
0x82: {  	_ =	shalt  }
0x83: {  	_ =	shalt  }
0x84: {  	_ =	shalt  }
0x85: {  	_ =	shalt  }
0x86: {  	_ =	shalt  }
0x87: {  	_ =	shalt  }
.Lfunc_end0:
.L_simem_size_0:
called_computation_lowered:
.L_overlay_start_0:
0x88: {  	s2 =	sld [smem:$0x3FD9]  }
0x89: {  	s3 =	sld [smem:$0x3FFE];
	_ =	sdelay $0x1  }
0x8a: {  	s1 =	srdreg.scid  }
0x8b: {  	s0 =	sand.u32 $0x1, s1  }
0x8c: {  	s17 =	sshll.u32 s0, $0xA;
	s2 =	sadd.s32 s3, s2  }
0x8d: {  	s2 =	sadd.s32 s2, s17  }
0x8e: {  	[smem:$0x3FC6] =	sst s2  }
0x8f: {  	_ = 	snop  }
0x90: {  	s2 =	sld [smem:$0x3FD0];
	(tm) =	ssettm $0x1  }
0x91: {  	s18 =	sld [smem:$0x3FFB];
	_ =	sdelay $0x3  }
0x92: {  	_ =	strace s18  }
0x93: {  	s3 =	sld [smem:$0x3FFC];
	_ =	sdelay $0x3  }
0x94: {  	_ =	strace s3  }
0x95: {  	s3 =	sld [smem:$0x3FFD];
	_ =	sdelay $0x3  }
0x96: {  	_ =	strace s3  }
0x97: {  	_ =	strace $0x8FFFFFFF  }
0x98: {  	s19 =	sld [smem:$0x3FDB];
	_ =	sdelay $0x1  }
0x99: {  	s4 =	simm.s32 $_scs_section_size  }
0x9a: {  	s5 =	simm.s32 $_size__tile_overlayer_lowered;
	s6 =	simm.s32 $_tile_overlayer_lowered  }
0x9b: {  	s22 =	simm.s32 $0x1BFF;
	s21 =	sshll.u32 s6, $0x1;
	s3 =	sadd.s32 s4, s19  }
0x9c: {  	s7 =	simm.s32 $0x0;
	s20 =	sshll.u32 s5, $0x1;
	s5 =	sadd.s32 s21, s3  }
0x9d: {  	[timem:s7], [sflag:s22] =	dma.local [hbm:s5], s20  }
0x9e: {  	_ =	swait.ge [sflag:s22], s20  }
0x9f: {  	s4 =	ssub.s32 $0x0, s20;
	[sflag:s22] =	ssyncset.done $0x0  }
0xa0: {  	[sflag:s22] =	ssyncadd.s32 s4;
	_ =	sdelay $0x1  }
0xa1: {  	s23 =	simm.s32 $0x1B8B  }
0xa2: {  	_ =	swait.ge [sflag:s23], $0x1  }
0xa3: {  	[sflag:s23] =	ssyncset.done $0x0  }
0xa4: {  	s25 =	simm.s32 $0x1B8E;
	s24 =	sld [smem:$0x3FFE];
	[sflag:s23] =	ssyncadd.s32 $0xFFFFFFFF  }
0xa5: {  	s26 =	simm.s32 $execute0_lowered;
	[smem:$0x3FD2] =	sst s25  }
0xa6: {  	s5 =	sshll.u32 s26, $0x1;
	_ =	strace $0x80000046;
	[dreg:$0x1] =	wrdreg $0xFFFFFFFF  }
0xa7: {  	s28 =	simm.s32 $_size_execute0_lowered;
	s3 =	sadd.s32 s3, s5;
	[dreg:$0x0] =	wrdreg $0x0  }
0xa8: {  	s5 =	sshll.u32 s28, $0x1;
	[dreg:$0x2] =	wrdreg s3  }
0xa9: {  	[dreg:$0x3] =	wrdreg s5  }
0xaa: {  	[dreg:$0x4] =	wrdreg $0xC0  }
0xab: {  	_ =	task [dreg:s7], $0x5FFFF  }
0xac: {  	[dreg:$0x1] =	wrdreg $0xFFFFFFFF  }
0xad: {  	[dreg:$0x0] =	wrdreg $0x60  }
0xae: {  	[dreg:$0x2] =	wrdreg s24  }
0xaf: {  	[dreg:$0x3] =	wrdreg s2  }
0xb0: {  	[dreg:$0x4] =	wrdreg $0x9  }
0xb1: {  	_ =	task.clear_ibuf [dreg:s7], $0x5FFFF;
	_ =	strace $0x90000046  }
0xb2: {  	s29 =	simm.s32 $0x9;
	_ =	strace $0x80000048  }
0xb3: {  	_ =	swait.ge [sflag:s29], $0x1  }
0xb4: {  	[sflag:s29] =	ssyncadd.s32 $0xFFFFFFFF  }
0xb5: {  	_ =	strace $0x90000048  }
0xb6: {  	_ =	sfence  }
0xb7: {  	s30 =	sld [smem:$0x0];
	_ =	sdelay $0x2  }
0xb8: {  	s31 =	sshll.u32 s1, $0xD;
	s1 =	sshrl.u32 s1, $0x2  }
0xb9: {  	s3 =	sand.u32 $0x4000, s31;
	s1 =	sadd.s32 s1, s30  }
0xba: {  	s0 =	sor.u32 s3, s0;
	s1 =	sshll.u32 s1, $0x11  }
0xbb: {  	s0 =	sor.u32 s1, s0  }
0xbc: {  	s0 =	sadd.s32 $0x8F2B, s0  }
0xbd: {  	[sflag:s0] =	ssyncadd.remote.s32 $0x1  }
0xbe: {  	_ =	sfence.sel $0xFFFF  }
0xbf: {  	[dreg:$0x0] =	wrdreg $0xFFFFFFFF;
	(pc) =	sbr.abs _section_cstart, $3  }
0xc0: {  	[dreg:$0x1] =	wrdreg $0xFFFFFFFF  }
0xc1: {  	_ =	task.clear_ibuf [dreg:s7], $0x2FFFF;
	_ =	strace $0x9FFFFFFF  }
0xc2: {  	(tm) =	ssettm $0x7FFFFFFF  }
0xc3: {  	_ =	shalt  }
tec
execute0_lowered:
.L_overlay_start_1:
0x0: {  	(tag) =	ssettag $0x1  }
0x1: {  	s4 =	rddreg [dreg:$0x0]  }
0x2: {  	s5 =	rddreg [dreg:$0x1]  }
0x3: {  	s0 =	rddreg [dreg:$0x2]  }
0x4: {  	s2 =	simm.s32 $0x0;
	s3 =	srdreg.scid;
	s1 =	stileid.u32  }
0x5: {  	s10 =	simm.s32 $0x0;
	[smem:$0x7FF] =	sst s2;
	s3 =	sand.u32 $0x1, s3  }
0x6: {  	s6 =	sshll.u32 s1, $0xD;
	s7 =	sshll.u32 s3, $0xC;
	s8 =	ssub.s32 $0x2, s3  }
0x7: {  	_ =	strace $0x80000047;
	s6 =	sor.u32 s7, s6;
	s31 =	sshrl.u32 s8, $0x1  }
0x8: {  	s3 =	sadd.s32 $0xF42A00, s4;
	s9 =	sadd.s32 s6, s4;
	s7 =	ssub.s32 s8, s31  }
0x9: {  	v0 =	vlaneseq.u32;
	s4 =	sadd.s32 s5, s6;
	s8 =	simm.s32 $0x8000;
	s5 =	sadd.s32 $0x600, s9  }
0xa: {  	v1 =	vor.u32 $0x10, v0;
	v2 =	vor.u32 $0x20, v0;
	v3 =	vor.u32 $0x30, v0;
	s6 =	smax.u32 s7, $0x1;
	s7 =	simm.s32 $0x2;
	s9 =	simm.s32 $0x1  }
.LBB2_1:
0xb: {  	[tilespmem:s2], [sflag:$0x2] =	stream.linear.gather [hbm4b:s4+s2], $0x8000, $0x38;
	[tilespmem:$0x10000] =	vst v63  }
0xc: {  	_ =	swait.ge [sflag:s7], $0x8000  }
0xd: {  	[sflag:s7] =	ssyncset.done $0x0  }
0xe: {  	s11 =	simm.s32 $0x40;
	[sflag:s7] =	ssyncadd.s32 $0xFFFF8000  }
0xf: {  	v5 =	vld [tilespmem:s11+$0xFFFFFFC0]  }
0x10: {  	v6 =	vld [tilespmem:s11+$0xFFFFFFD0]  }
0x11: {  	v8 =	vld [tilespmem:s11+$0xFFFFFFE0]  }
0x12: {  	v7 =	vld [tilespmem:s11+$0x0]  }
0x13: {  	v4 =	vld [tilespmem:s11+$0x10]  }
0x14: {  	v9 =	vshll.u32 v5, $0x6;
	v5 =	vld [tilespmem:s11+$0x20]  }
0x15: {  	v10 =	vshll.u32 v6, $0x6;
	v6 =	vld [tilespmem:s11+$0x30];
	v9 =	vor.u32 v0, v9  }
0x16: {  	s12 =	simm.s32 $0x0;
	s13 =	simm.s32 $0xC0;
	[tilespmem:s11+$0xFFFFFFC0] =	vst v9;
	v9 =	vor.u32 v1, v10;
	v10 =	vshll.u32 v8, $0x6;
	v8 =	vld [tilespmem:s11+$0xFFFFFFF0]  }
.LBB2_2:
0x17: {  	v11 =	vld [tilespmem:s13+$0xFFFFFFC0];
	[tilespmem:s11+$0xFFFFFFD0] =	vst v9;
	v9 =	vor.u32 v2, v10;
	v7 =	vshll.u32 v7, $0x6  }
0x18: {  	s12 =	sadd.s32 $0x2, s12;
	v10 =	vld [tilespmem:s13+$0xFFFFFFD0];
	[tilespmem:s11+$0xFFFFFFE0] =	vst v9;
	v7 =	vor.u32 v0, v7;
	v4 =	vshll.u32 v4, $0x6  }
0x19: {  	p0 =	slt.u32 s12, $0x1FE;
	v12 =	vld [tilespmem:s13+$0xFFFFFFE0];
	[tilespmem:s11+$0x0] =	vst v7;
	v4 =	vor.u32 v1, v4;
	v5 =	vshll.u32 v5, $0x6  }
.Ltmp0:
0x1a: {  	v7 =	vld [tilespmem:s13+$0x0];
	[tilespmem:s11+$0x10] =	vst v4;
	v5 =	vor.u32 v2, v5;
	v6 =	vshll.u32 v6, $0x6;
	(pc) =	sbr.rel @p0 .LBB2_2-.Ltmp0, $4  }
0x1b: {  	v4 =	vld [tilespmem:s13+$0x10];
	v8 =	vshll.u32 v8, $0x6;
	[tilespmem:s11+$0x20] =	vst v5;
	v6 =	vor.u32 v3, v6  }
0x1c: {  	v9 =	vshll.u32 v11, $0x6;
	v5 =	vld [tilespmem:s13+$0x20];
	v8 =	vor.u32 v3, v8;
	[tilespmem:s11+$0x30] =	vst v6  }
0x1d: {  	v9 =	vor.u32 v0, v9;
	v10 =	vshll.u32 v10, $0x6;
	v6 =	vld [tilespmem:s13+$0x30];
	[tilespmem:s11+$0xFFFFFFF0] =	vst v8;
	s11 =	smov.u32 s13  }
0x1e: {  	s13 =	sadd.s32 $0x80, s13;
	[tilespmem:s11+$0xFFFFFFC0] =	vst v9;
	v9 =	vor.u32 v1, v10;
	v10 =	vshll.u32 v12, $0x6;
	v8 =	vld [tilespmem:s11+$0xFFFFFFF0]  }
0x1f: {  	[tilespmem:s11+$0xFFFFFFD0] =	vst v9;
	v62 =	vor.u32 v2, v10;
	v7 =	vshll.u32 v7, $0x6  }
0x20: {  	[tilespmem:s11+$0xFFFFFFE0] =	vst v62;
	v7 =	vor.u32 v0, v7;
	v4 =	vshll.u32 v4, $0x6  }
0x21: {  	[tilespmem:s11+$0x0] =	vst v7;
	v4 =	vor.u32 v1, v4;
	v5 =	vshll.u32 v5, $0x6  }
0x22: {  	[tilespmem:s11+$0x10] =	vst v4;
	v4 =	vor.u32 v2, v5;
	v5 =	vshll.u32 v6, $0x6  }
0x23: {  	v63 =	vshll.u32 v8, $0x6;
	[tilespmem:s11+$0x20] =	vst v4;
	v4 =	vor.u32 v3, v5  }
0x24: {  	v5 =	vor.u32 v3, v63;
	[tilespmem:s11+$0x30] =	vst v4  }
0x25: {  	[tilespmem:s11+$0xFFFFFFF0] =	vst v5  }
0x26: {  	[tilespmem:s8], [sflag:$0x1] =	stream.indirect.gather [hbm4b:s3+s8], $0x1, s2, s8, $0xb8;
	[tilespmem:$0x10000] =	vst v63  }
0x27: {  	s10 =	sadd.s32 $0x1, s10;
	_ =	swait.ge [sflag:s9], $0x8000  }
0x28: {  	p0 =	sne.s32 s10, s6;
	[sflag:s9] =	ssyncset.done $0x0  }
.Ltmp1:
0x29: {  	[sflag:s9] =	ssyncadd.s32 $0xFFFF8000;
	(pc) =	sbr.rel @p0 .LBB2_1-.Ltmp1, $4  }
0x2a: {  	[hbm4b:s5+s2] =	stream.linear.scatter [tilespmem:s8], [sflag:$0x2], $0x8000, $0x38;
	[tilespmem:$0x10000] =	vst v63  }
0x2b: {  	_ =	swait.ge [sflag:s7], $0x8000  }
0x2c: {  	[sflag:s7] =	ssyncset.done $0x0  }
0x2d: {  	[sflag:s7] =	ssyncadd.s32 $0xFFFF8000  }
0x2e: {  	_ =	sfence.sel $0x180000  }
0x2f: {  	[bflag:$0x0] =	sbarrier.arrive $0xFFFF  }
0x30: {  	p0 =	sne.s32 s1, $0x0;
	_ =	strace $0x90000047  }
0x31: {  	s0 =	sadd.s32 @!p0 $0x100000, s0;
	[bflag:$0x2] =	sbarrier.arrive $0xFFFF  }
0x32: {  	[sflag:s0] =	ssyncadd.tile.s32 @!p0 $0x1;
	_ =	shalt  }
.Lfunc_end2:
_tile_overlayer_lowered:
.L_overlay_start_2:
0x33: {  	(tag) =	ssettag $0x2  }
0x34: {  	s0 =	rddreg [dreg:$0x0];
	s2 =	stileid.u32  }
0x35: {  	s1 =	rddreg [dreg:$0x1];
	p0 =	sne.s32 s2, $0x0  }
0x36: {  	s3 =	rddreg [dreg:$0x2];
	[bflag:$0x3] =	sbarrier.arrive $0xFFFF;
	s2 =	simm.s32 @!p0 $0x1C02  }
0x37: {  	[timem:s3], [sflag:s2] =	dma.local @!p0 [hbm:s0], s1  }
0x38: {  	s0 =	simm.s32 @!p0 $0x2  }
0x39: {  	_ =	swait.ge @!p0 [sflag:s0], s1  }
0x3a: {  	s1 =	ssub.s32 @!p0 $0x0, s1;
	[sflag:s0] =	ssyncset.done @!p0 $0x0  }
0x3b: {  	[sflag:s0] =	ssyncadd.s32 @!p0 s1  }
0x3c: {  	[bflag:$0x3] =	sbarrier.arrive $0xFFFF  }
0x3d: {  	_ =	shalt  }

</sc_bundles>
